<compile_context>
chip_gen: v7x
topology: tpu7x:2x2x1
jax: 0.10.2.dev20260603
libtpu: 0.0.44.dev20260713+nightly
codegen_flags: <defaults>
</compile_context>

<pallas_src>
import functools

import jax
import jax.numpy as jnp
from jax import lax
from jax.experimental import pallas as pl
from jax.experimental.pallas import tpu as pltpu
from jax.experimental.pallas import tpu_sc as plsc

_NUM_CORES = 2
_NUM_SUBCORES = 16
_NUM_WORKERS = _NUM_CORES * _NUM_SUBCORES


def _sc_permute(flat, idx):
    c, n = flat.shape
    bpw = n // _NUM_WORKERS
    mesh = plsc.VectorSubcoreMesh(core_axis_name="core", subcore_axis_name="subcore")

    @functools.partial(
        pl.kernel,
        mesh=mesh,
        out_type=jax.ShapeDtypeStruct((c * n,), flat.dtype),
        scratch_types=[
            pltpu.VMEM((bpw,), jnp.int32),
        ]
        + [pltpu.VMEM((bpw,), jnp.float32) for _ in range(c)]
        + [pltpu.SemaphoreType.DMA for _ in range(c)]
        + [pltpu.SemaphoreType.DMA, pltpu.SemaphoreType.DMA]
        + [pltpu.VMEM_SHARED((c * n,), jnp.float32)],
    )
    def k(x_hbm, idx_hbm, out_hbm, idx_v, *rest):
        vals = rest[:c]
        gsems = rest[c : 2 * c]
        wsem = rest[2 * c]
        ssem = rest[2 * c + 1]
        x_sp = rest[2 * c + 2]
        sid = lax.axis_index("subcore")
        wid = sid * _NUM_CORES + lax.axis_index("core")
        base = wid * bpw
        share = (c * n) // _NUM_SUBCORES
        stage = pltpu.async_copy(
            x_hbm.at[pl.ds(sid * share, share)], x_sp.at[pl.ds(sid * share, share)], ssem
        )
        pltpu.sync_copy(idx_hbm.at[pl.ds(base, bpw)], idx_v)
        stage.wait()
        plsc.subcore_barrier()
        gathers = [
            pltpu.async_copy(x_sp.at[pl.ds(ch * n, n)].at[idx_v], vals[ch], gsems[ch])
            for ch in range(c)
        ]
        writes = []
        for ch in range(c):
            gathers[ch].wait()
            writes.append(
                pltpu.async_copy(vals[ch], out_hbm.at[pl.ds(ch * n + base, bpw)], wsem)
            )
        for wr in writes:
            wr.wait()

    return k(flat.reshape(c * n), idx).reshape(c, n)


def kernel(x, shuffle_idx):
    c, w, h = x.shape
    flat = x.reshape(c, w * h)
    idx = shuffle_idx.astype(jnp.int32)
    out = _sc_permute(flat, idx)
    return out.reshape(c, w, h)

# --- scband reference (transcript-rebuilt; emitter-appended) ---
"""Pipeline reference for scband-random-pixel-perm-5488968204739 (READ-ONLY COPY).

The authoritative reference and input builder live on the scoring server;
editing this copy changes nothing except your own understanding.
"""

import jax, jax.numpy as jnp
import numpy as np

W = 512
H = 512

def setup_inputs(seed: int = 0) -> dict:
    key = jax.random.key(seed)
    kx, kp = jax.random.split(key)
    x = jax.random.normal(kx, (3, W, H), dtype=jnp.float32)
    # torch.randperm equivalent: a fixed random permutation of W*H pixel indices
    shuffle_idx = jax.random.permutation(kp, W * H).astype(jnp.int64)
    return {"x": x, "shuffle_idx": shuffle_idx}

def reference(x, shuffle_idx):
    c, w, h = x.shape
    flat = x.reshape(c, w * h)
    # same permutation applied to every channel, exactly as the torch module does
    shuffled = jnp.take(flat, shuffle_idx, axis=1)
    output = shuffled.reshape(c, w, h)
    return output

if __name__ == "__main__":
    import jax
    _d = setup_inputs()
    print(jax.jit(kernel)(*tuple(_d.values())))

</pallas_src>

<mosaic_0001>
#map = affine_map<(d0, d1) -> (0)>
module attributes {stable_mosaic.version = 14 : i64} {
  func.func @k(%arg0: i32, %arg1: i32, %arg2: memref<786432xf32, #tpu.memory_space<hbm>>, %arg3: memref<262144xi32, #tpu.memory_space<hbm>>, %arg4: memref<786432xf32, #tpu.memory_space<hbm>>, %arg5: memref<8192xi32, #tpu.memory_space<vmem>>, %arg6: memref<8192xf32, #tpu.memory_space<vmem>>, %arg7: memref<8192xf32, #tpu.memory_space<vmem>>, %arg8: memref<8192xf32, #tpu.memory_space<vmem>>, %arg9: memref<!tpu.dma_semaphore, #tpu.memory_space<semaphore_mem>>, %arg10: memref<!tpu.dma_semaphore, #tpu.memory_space<semaphore_mem>>, %arg11: memref<!tpu.dma_semaphore, #tpu.memory_space<semaphore_mem>>, %arg12: memref<!tpu.dma_semaphore, #tpu.memory_space<semaphore_mem>>, %arg13: memref<!tpu.dma_semaphore, #tpu.memory_space<semaphore_mem>>, %arg14: memref<786432xf32, #tpu.memory_space<vmem_shared>>) attributes {dimension_semantics = [#tpu.dimension_semantics<core_parallel>, #tpu.dimension_semantics<subcore_parallel>], iteration_bounds = array<i64: 2, 16>, scalar_prefetch = 0 : i64, scratch_operands = 10 : i64, tpu.core_type = #tpu.core_type<sc_vector_subcore>, window_params = [{transform_indices = #map}, {transform_indices = #map}, {transform_indices = #map}]} {
    %mul3A = arith.constant 2 : i32
    %mul3A_0 = arith.muli %arg1, %mul3A : i32
    %add3A = arith.addi %mul3A_0, %arg0 : i32
    %mul3A_1 = arith.constant 8192 : i32
    %mul3A_2 = arith.muli %add3A, %mul3A_1 : i32
    %mul3A_3 = arith.constant 49152 : i32
    %mul3A_4 = arith.muli %arg1, %mul3A_3 : i32
    %mul3A_5 = arith.constant 49152 : i32
    %mul3A_6 = arith.muli %arg1, %mul3A_5 : i32
    %dma_start3A = tpu.memref_slice %arg14[%mul3A_6] : memref<786432xf32, #tpu.memory_space<vmem_shared>> -> memref<49152xf32, #tpu.memory_space<vmem_shared>>
    %dma_start3A_7 = tpu.memref_slice %arg2[%mul3A_4] : memref<786432xf32, #tpu.memory_space<hbm>> -> memref<49152xf32, #tpu.memory_space<hbm>>
    tpu.enqueue_dma source(%dma_start3A_7 : memref<49152xf32, #tpu.memory_space<hbm>>) target(%dma_start3A : memref<49152xf32, #tpu.memory_space<vmem_shared>>) target_semaphore(%arg13 : memref<!tpu.dma_semaphore, #tpu.memory_space<semaphore_mem>>)
    "tpu.region"() ({
      %run_scoped3A = tpu.sem_alloc : memref<!tpu.dma_semaphore, #tpu.memory_space<semaphore_mem>>
      %dma_start3A_51 = tpu.memref_slice %arg3[%mul3A_2] : memref<262144xi32, #tpu.memory_space<hbm>> -> memref<8192xi32, #tpu.memory_space<hbm>>
      %dma_start3A_52 = tpu.memref_slice %arg3[%mul3A_2] : memref<262144xi32, #tpu.memory_space<hbm>> -> memref<8192xi32, #tpu.memory_space<hbm>>
      tpu.enqueue_dma source(%dma_start3A_52 : memref<8192xi32, #tpu.memory_space<hbm>>) target(%arg5 : memref<8192xi32, #tpu.memory_space<vmem>>) target_semaphore(%run_scoped3A : memref<!tpu.dma_semaphore, #tpu.memory_space<semaphore_mem>>)
      %dma_wait3A_53 = tpu.memref_slice %arg3[%mul3A_2] : memref<262144xi32, #tpu.memory_space<hbm>> -> memref<8192xi32, #tpu.memory_space<hbm>>
      %dma_wait3A_54 = tpu.memref_slice %arg3[%mul3A_2] : memref<262144xi32, #tpu.memory_space<hbm>> -> memref<8192xi32, #tpu.memory_space<hbm>>
      tpu.wait_dma2 semaphore(%run_scoped3A : memref<!tpu.dma_semaphore, #tpu.memory_space<semaphore_mem>>) src(%dma_wait3A_54 : memref<8192xi32, #tpu.memory_space<hbm>>) dst(%arg5 : memref<8192xi32, #tpu.memory_space<vmem>>)
      tpu.yield
    }) : () -> ()
    %dma_wait3A = tpu.memref_slice %arg14[%mul3A_6] : memref<786432xf32, #tpu.memory_space<vmem_shared>> -> memref<49152xf32, #tpu.memory_space<vmem_shared>>
    %dma_wait3A_8 = tpu.memref_slice %arg2[%mul3A_4] : memref<786432xf32, #tpu.memory_space<hbm>> -> memref<49152xf32, #tpu.memory_space<hbm>>
    tpu.wait_dma2 semaphore(%arg13 : memref<!tpu.dma_semaphore, #tpu.memory_space<semaphore_mem>>) src(%dma_wait3A_8 : memref<49152xf32, #tpu.memory_space<hbm>>) dst(%dma_wait3A : memref<49152xf32, #tpu.memory_space<vmem_shared>>)
    %barrier3A = arith.constant 0 : index
    tpu.barrier barrier_id(%barrier3A)
    %dma_start3A_9 = arith.constant 0 : i32
    %dma_start3A_10 = tpu.memref_slice %arg14[%dma_start3A_9] : memref<786432xf32, #tpu.memory_space<vmem_shared>> -> memref<262144xf32, #tpu.memory_space<vmem_shared>>
    %dma_start3A_11 = arith.constant 0 : i32
    %dma_start3A_12 = tpu.memref_slice %dma_start3A_10[%dma_start3A_11] : memref<262144xf32, #tpu.memory_space<vmem_shared>> -> memref<262144xf32, #tpu.memory_space<vmem_shared>>
    tpu.enqueue_indirect_dma source(%dma_start3A_12 : memref<262144xf32, #tpu.memory_space<vmem_shared>>) target(%arg6 : memref<8192xf32, #tpu.memory_space<vmem>>) offsets(%arg5 : memref<8192xi32, #tpu.memory_space<vmem>>) semaphore(%arg9 : memref<!tpu.dma_semaphore, #tpu.memory_space<semaphore_mem>>)
    %dma_start3A_13 = arith.constant 262144 : i32
    %dma_start3A_14 = tpu.memref_slice %arg14[%dma_start3A_13] : memref<786432xf32, #tpu.memory_space<vmem_shared>> -> memref<262144xf32, #tpu.memory_space<vmem_shared>>
    %dma_start3A_15 = arith.constant 0 : i32
    %dma_start3A_16 = tpu.memref_slice %dma_start3A_14[%dma_start3A_15] : memref<262144xf32, #tpu.memory_space<vmem_shared>> -> memref<262144xf32, #tpu.memory_space<vmem_shared>>
    tpu.enqueue_indirect_dma source(%dma_start3A_16 : memref<262144xf32, #tpu.memory_space<vmem_shared>>) target(%arg7 : memref<8192xf32, #tpu.memory_space<vmem>>) offsets(%arg5 : memref<8192xi32, #tpu.memory_space<vmem>>) semaphore(%arg10 : memref<!tpu.dma_semaphore, #tpu.memory_space<semaphore_mem>>)
    %dma_start3A_17 = arith.constant 524288 : i32
    %dma_start3A_18 = tpu.memref_slice %arg14[%dma_start3A_17] : memref<786432xf32, #tpu.memory_space<vmem_shared>> -> memref<262144xf32, #tpu.memory_space<vmem_shared>>
    %dma_start3A_19 = arith.constant 0 : i32
    %dma_start3A_20 = tpu.memref_slice %dma_start3A_18[%dma_start3A_19] : memref<262144xf32, #tpu.memory_space<vmem_shared>> -> memref<262144xf32, #tpu.memory_space<vmem_shared>>
    tpu.enqueue_indirect_dma source(%dma_start3A_20 : memref<262144xf32, #tpu.memory_space<vmem_shared>>) target(%arg8 : memref<8192xf32, #tpu.memory_space<vmem>>) offsets(%arg5 : memref<8192xi32, #tpu.memory_space<vmem>>) semaphore(%arg11 : memref<!tpu.dma_semaphore, #tpu.memory_space<semaphore_mem>>)
    %dma_wait3A_21 = arith.constant 0 : i32
    %dma_wait3A_22 = tpu.memref_slice %arg14[%dma_wait3A_21] : memref<786432xf32, #tpu.memory_space<vmem_shared>> -> memref<262144xf32, #tpu.memory_space<vmem_shared>>
    %dma_wait3A_23 = arith.constant 0 : i32
    %dma_wait3A_24 = tpu.memref_slice %dma_wait3A_22[%dma_wait3A_23] : memref<262144xf32, #tpu.memory_space<vmem_shared>> -> memref<262144xf32, #tpu.memory_space<vmem_shared>>
    tpu.wait_indirect_dma semaphore(%arg9 : memref<!tpu.dma_semaphore, #tpu.memory_space<semaphore_mem>>) src(%dma_wait3A_24 : memref<262144xf32, #tpu.memory_space<vmem_shared>>) dst(%arg6 : memref<8192xf32, #tpu.memory_space<vmem>>)
    %add3A_25 = arith.constant 0 : i32
    %add3A_26 = arith.addi %add3A_25, %mul3A_2 : i32
    %dma_start3A_27 = tpu.memref_slice %arg4[%add3A_26] : memref<786432xf32, #tpu.memory_space<hbm>> -> memref<8192xf32, #tpu.memory_space<hbm>>
    %dma_start3A_28 = tpu.memref_slice %arg4[%add3A_26] : memref<786432xf32, #tpu.memory_space<hbm>> -> memref<8192xf32, #tpu.memory_space<hbm>>
    tpu.enqueue_dma source(%arg6 : memref<8192xf32, #tpu.memory_space<vmem>>) target(%dma_start3A_28 : memref<8192xf32, #tpu.memory_space<hbm>>) target_semaphore(%arg12 : memref<!tpu.dma_semaphore, #tpu.memory_space<semaphore_mem>>)
    %dma_wait3A_29 = arith.constant 262144 : i32
    %dma_wait3A_30 = tpu.memref_slice %arg14[%dma_wait3A_29] : memref<786432xf32, #tpu.memory_space<vmem_shared>> -> memref<262144xf32, #tpu.memory_space<vmem_shared>>
    %dma_wait3A_31 = arith.constant 0 : i32
    %dma_wait3A_32 = tpu.memref_slice %dma_wait3A_30[%dma_wait3A_31] : memref<262144xf32, #tpu.memory_space<vmem_shared>> -> memref<262144xf32, #tpu.memory_space<vmem_shared>>
    tpu.wait_indirect_dma semaphore(%arg10 : memref<!tpu.dma_semaphore, #tpu.memory_space<semaphore_mem>>) src(%dma_wait3A_32 : memref<262144xf32, #tpu.memory_space<vmem_shared>>) dst(%arg7 : memref<8192xf32, #tpu.memory_space<vmem>>)
    %add3A_33 = arith.constant 262144 : i32
    %add3A_34 = arith.addi %add3A_33, %mul3A_2 : i32
    %dma_start3A_35 = tpu.memref_slice %arg4[%add3A_34] : memref<786432xf32, #tpu.memory_space<hbm>> -> memref<8192xf32, #tpu.memory_space<hbm>>
    %dma_start3A_36 = tpu.memref_slice %arg4[%add3A_34] : memref<786432xf32, #tpu.memory_space<hbm>> -> memref<8192xf32, #tpu.memory_space<hbm>>
    tpu.enqueue_dma source(%arg7 : memref<8192xf32, #tpu.memory_space<vmem>>) target(%dma_start3A_36 : memref<8192xf32, #tpu.memory_space<hbm>>) target_semaphore(%arg12 : memref<!tpu.dma_semaphore, #tpu.memory_space<semaphore_mem>>)
    %dma_wait3A_37 = arith.constant 524288 : i32
    %dma_wait3A_38 = tpu.memref_slice %arg14[%dma_wait3A_37] : memref<786432xf32, #tpu.memory_space<vmem_shared>> -> memref<262144xf32, #tpu.memory_space<vmem_shared>>
    %dma_wait3A_39 = arith.constant 0 : i32
    %dma_wait3A_40 = tpu.memref_slice %dma_wait3A_38[%dma_wait3A_39] : memref<262144xf32, #tpu.memory_space<vmem_shared>> -> memref<262144xf32, #tpu.memory_space<vmem_shared>>
    tpu.wait_indirect_dma semaphore(%arg11 : memref<!tpu.dma_semaphore, #tpu.memory_space<semaphore_mem>>) src(%dma_wait3A_40 : memref<262144xf32, #tpu.memory_space<vmem_shared>>) dst(%arg8 : memref<8192xf32, #tpu.memory_space<vmem>>)
    %add3A_41 = arith.constant 524288 : i32
    %add3A_42 = arith.addi %add3A_41, %mul3A_2 : i32
    %dma_start3A_43 = tpu.memref_slice %arg4[%add3A_42] : memref<786432xf32, #tpu.memory_space<hbm>> -> memref<8192xf32, #tpu.memory_space<hbm>>
    %dma_start3A_44 = tpu.memref_slice %arg4[%add3A_42] : memref<786432xf32, #tpu.memory_space<hbm>> -> memref<8192xf32, #tpu.memory_space<hbm>>
    tpu.enqueue_dma source(%arg8 : memref<8192xf32, #tpu.memory_space<vmem>>) target(%dma_start3A_44 : memref<8192xf32, #tpu.memory_space<hbm>>) target_semaphore(%arg12 : memref<!tpu.dma_semaphore, #tpu.memory_space<semaphore_mem>>)
    %dma_wait3A_45 = tpu.memref_slice %arg4[%add3A_26] : memref<786432xf32, #tpu.memory_space<hbm>> -> memref<8192xf32, #tpu.memory_space<hbm>>
    %dma_wait3A_46 = tpu.memref_slice %arg4[%add3A_26] : memref<786432xf32, #tpu.memory_space<hbm>> -> memref<8192xf32, #tpu.memory_space<hbm>>
    tpu.wait_dma2 semaphore(%arg12 : memref<!tpu.dma_semaphore, #tpu.memory_space<semaphore_mem>>) src(%arg6 : memref<8192xf32, #tpu.memory_space<vmem>>) dst(%dma_wait3A_46 : memref<8192xf32, #tpu.memory_space<hbm>>)
    %dma_wait3A_47 = tpu.memref_slice %arg4[%add3A_34] : memref<786432xf32, #tpu.memory_space<hbm>> -> memref<8192xf32, #tpu.memory_space<hbm>>
    %dma_wait3A_48 = tpu.memref_slice %arg4[%add3A_34] : memref<786432xf32, #tpu.memory_space<hbm>> -> memref<8192xf32, #tpu.memory_space<hbm>>
    tpu.wait_dma2 semaphore(%arg12 : memref<!tpu.dma_semaphore, #tpu.memory_space<semaphore_mem>>) src(%arg7 : memref<8192xf32, #tpu.memory_space<vmem>>) dst(%dma_wait3A_48 : memref<8192xf32, #tpu.memory_space<hbm>>)
    %dma_wait3A_49 = tpu.memref_slice %arg4[%add3A_42] : memref<786432xf32, #tpu.memory_space<hbm>> -> memref<8192xf32, #tpu.memory_space<hbm>>
    %dma_wait3A_50 = tpu.memref_slice %arg4[%add3A_42] : memref<786432xf32, #tpu.memory_space<hbm>> -> memref<8192xf32, #tpu.memory_space<hbm>>
    tpu.wait_dma2 semaphore(%arg12 : memref<!tpu.dma_semaphore, #tpu.memory_space<semaphore_mem>>) src(%arg8 : memref<8192xf32, #tpu.memory_space<vmem>>) dst(%dma_wait3A_50 : memref<8192xf32, #tpu.memory_space<hbm>>)
    return
  }
}

</mosaic_0001>

<sc_bundles>
// kernel: kernel.3.cloned.1.call-start
scs
__scs_entry_jumppad:
0x0: {  	(pc) =	sbr.rel $0x88, $3  }
0x1: {  	(tag) =	ssettag $0x0;
	lr =	simm.s32 $0x1  }
0x2: {  	[smem:$0x3F9F] =	sst lr;
	_ =	strace $0xD0000000  }
0x3: {  	_ = 	snop  }
0x4: {  	_ = 	snop  }
0x5: {  	_ = 	snop  }
0x6: {  	_ = 	snop  }
0x7: {  	_ = 	snop  }
__scs_overlays_trampoline_lowered:
0x8: {  	[smem:$0x3FAE] =	sst s0  }
0x9: {  	[smem:$0x3FAF] =	sst s1  }
0xa: {  	[smem:$0x3FB0] =	sst s2  }
0xb: {  	[smem:$0x3FB1] =	sst s3  }
0xc: {  	[smem:$0x3FB2] =	sst s4  }
0xd: {  	[smem:$0x3FB3] =	sst s5  }
0xe: {  	[smem:$0x3FB4] =	sst s6  }
0xf: {  	[smem:$0x3FB5] =	sst s7  }
0x10: {  	[smem:$0x3FB6] =	sst s8  }
0x11: {  	[smem:$0x3FB7] =	sst s9;
	s0 =	simm.s32 @!p0 $0x0  }
0x12: {  	s1 =	sld [smem:$0x3F9D];
	s0 =	simm.s32 @p0 $0x1  }
0x13: {  	[smem:$0x3FB8] =	sst s0;
	s0 =	simm.s32 @!p1 $0x0  }
0x14: {  	s2 =	sld [smem:$0x3F9C];
	s0 =	simm.s32 @p1 $0x1  }
0x15: {  	[smem:$0x3FB9] =	sst s0;
	s0 =	simm.s32 @!p2 $0x0  }
0x16: {  	s3 =	sld [smem:$0x3FDB];
	s0 =	simm.s32 @p2 $0x1  }
0x17: {  	s4 =	simm.s32 $0x1BF5;
	[smem:$0x3FBB] =	sst s0  }
0x18: {  	s0 =	sld [smem:$0x3F9E];
	_ =	swait.ge [sflag:s4], $0x0  }
0x19: {  	s7 =	sld [smem:$0x3F9F]  }
0x1a: {  	s8 =	sadd.s32 $0xFFFFE003, lr  }
0x1b: {  	s9 =	sadd.s32 $0xFFFFFEF7, lr;
	s5 =	simm.s32 $0xFFFFFFFF;
	p2 =	slt.u32 s8, $0xFFFFF086  }
0x1c: {  	p1 =	slt.u32 s9, $0xF7A;
	s5 =	simm.s32 @!p2 $0x0  }
0x1d: {  	s5 =	simm.s32 @p1 $0x1;
	p0 =	seq.s32 s7, s2  }
0x1e: {  	s7 =	smul.u32 @!p0 $0xF7A, s2;
	p2 =	seq.s32 @!p0 s5, $0x0  }
0x1f: {  	s9 =	smul.u32 $0xF7A, s1;
	s8 =	simm.s32 @!p0 $0x1BF5;
	p2 =	por !p2, p0  }
0x20: {  	[sflag:s8] =	ssyncset.s32 @!p0 $0xFFFFF086;
	s6 =	sadd.s32 @!p0 s3, s7;
	s7 =	simm.s32 @!p0 $0x108  }
0x21: {  	s3 =	sadd.s32 s3, s9;
	s6 =	sadd.s32 @!p0 $0x88, s6;
	s7 =	simm.s32 @p2 $0x1082  }
0x22: {  	[simem:s7], [sflag:s8] =	dma.local @!p0 [hbm:s6], $0xF7A  }
0x23: {  	s9 =	sor.u32 $0xD0000000, s2;
	s6 =	simm.s32 $0x108;
	_ =	swait.ge @!p0 [sflag:s8], $0x0  }
0x24: {  	s3 =	sadd.s32 $0x88, s3;
	s6 =	simm.s32 @!p1 $0x1082;
	[sflag:s4] =	ssyncset.s32 $0xFFFFF086  }
0x25: {  	[simem:s6], [sflag:s4] =	dma.local [hbm:s3], $0xF7A  }
0x26: {  	[smem:$0x3F9F] =	sst s1;
	(tag) =	ssettag s2;
	_ =	strace s9  }
0x27: {  	s1 =	sld [smem:$0x3FAF]  }
0x28: {  	s2 =	sld [smem:$0x3FB0]  }
0x29: {  	s4 =	sld [smem:$0x3FB2]  }
0x2a: {  	p0 =	seq.s32 s5, $0x0;
	s5 =	sld [smem:$0x3FB3]  }
0x2b: {  	s6 =	sld [smem:$0x3FB4]  }
0x2c: {  	s7 =	sld [smem:$0x3FB5]  }
0x2d: {  	s3 =	simm.s32 $0x108;
	s8 =	sld [smem:$0x3FB6]  }
0x2e: {  	s3 =	simm.s32 @!p0 $0x1082;
	s9 =	sld [smem:$0x3FB7]  }
0x2f: {  	lr =	sadd.s32 s0, s3;
	s0 =	sld [smem:$0x3FAE]  }
0x30: {  	s3 =	sld [smem:$0x3FB1]  }
0x31: {  	[smem:$0x3FBA] =	sst s10  }
0x32: {  	s10 =	sld [smem:$0x3FB8];
	_ =	sdelay $0x3  }
0x33: {  	p0 =	seq.s32 s10, $0x1;
	s10 =	sld [smem:$0x3FBA];
	_ =	sdelay $0x3  }
0x34: {  	[smem:$0x3FBA] =	sst s10  }
0x35: {  	s10 =	sld [smem:$0x3FB9];
	_ =	sdelay $0x3  }
0x36: {  	p1 =	seq.s32 s10, $0x1;
	s10 =	sld [smem:$0x3FBA];
	_ =	sdelay $0x3  }
0x37: {  	[smem:$0x3FBA] =	sst s10  }
0x38: {  	s10 =	sld [smem:$0x3FBB]  }
0x39: {  	_ = 	snop;
	(pc) =	sbr.ind lr, $3  }
0x3a: {  	_ = 	snop  }
0x3b: {  	_ = 	snop  }
0x3c: {  	p2 =	seq.s32 s10, $0x1;
	s10 =	sld [smem:$0x3FBA]  }
0x3d: {  	_ =	shalt  }
0x3e: {  	_ =	shalt  }
0x3f: {  	_ =	shalt  }
0x40: {  	_ =	shalt  }
0x41: {  	_ =	shalt  }
0x42: {  	_ =	shalt  }
0x43: {  	_ =	shalt  }
0x44: {  	_ =	shalt  }
0x45: {  	_ =	shalt  }
0x46: {  	_ =	shalt  }
0x47: {  	_ =	shalt  }
0x48: {  	_ =	shalt  }
0x49: {  	_ =	shalt  }
0x4a: {  	_ =	shalt  }
0x4b: {  	_ =	shalt  }
0x4c: {  	_ =	shalt  }
0x4d: {  	_ =	shalt  }
0x4e: {  	_ =	shalt  }
0x4f: {  	_ =	shalt  }
0x50: {  	_ =	shalt  }
0x51: {  	_ =	shalt  }
0x52: {  	_ =	shalt  }
0x53: {  	_ =	shalt  }
0x54: {  	_ =	shalt  }
0x55: {  	_ =	shalt  }
0x56: {  	_ =	shalt  }
0x57: {  	_ =	shalt  }
0x58: {  	_ =	shalt  }
0x59: {  	_ =	shalt  }
0x5a: {  	_ =	shalt  }
0x5b: {  	_ =	shalt  }
0x5c: {  	_ =	shalt  }
0x5d: {  	_ =	shalt  }
0x5e: {  	_ =	shalt  }
0x5f: {  	_ =	shalt  }
0x60: {  	_ =	shalt  }
0x61: {  	_ =	shalt  }
0x62: {  	_ =	shalt  }
0x63: {  	_ =	shalt  }
0x64: {  	_ =	shalt  }
0x65: {  	_ =	shalt  }
0x66: {  	_ =	shalt  }
0x67: {  	_ =	shalt  }
0x68: {  	_ =	shalt  }
0x69: {  	_ =	shalt  }
0x6a: {  	_ =	shalt  }
0x6b: {  	_ =	shalt  }
0x6c: {  	_ =	shalt  }
0x6d: {  	_ =	shalt  }
0x6e: {  	_ =	shalt  }
0x6f: {  	_ =	shalt  }
0x70: {  	_ =	shalt  }
0x71: {  	_ =	shalt  }
0x72: {  	_ =	shalt  }
0x73: {  	_ =	shalt  }
0x74: {  	_ =	shalt  }
0x75: {  	_ =	shalt  }
0x76: {  	_ =	shalt  }
0x77: {  	_ =	shalt  }
0x78: {  	_ =	shalt  }
0x79: {  	_ =	shalt  }
0x7a: {  	_ =	shalt  }
0x7b: {  	_ =	shalt  }
0x7c: {  	_ =	shalt  }
0x7d: {  	_ =	shalt  }
0x7e: {  	_ =	shalt  }
0x7f: {  	_ =	shalt  }
0x80: {  	_ =	shalt  }
0x81: {  	_ =	shalt  }
0x82: {  	_ =	shalt  }
0x83: {  	_ =	shalt  }
0x84: {  	_ =	shalt  }
0x85: {  	_ =	shalt  }
0x86: {  	_ =	shalt  }
0x87: {  	_ =	shalt  }
.Lfunc_end0:
.L_simem_size_0:
called_computation_lowered:
.L_overlay_start_0:
0x88: {  	s2 =	sld [smem:$0x3FD9]  }
0x89: {  	s3 =	sld [smem:$0x3FFE];
	_ =	sdelay $0x1  }
0x8a: {  	s1 =	srdreg.scid  }
0x8b: {  	s0 =	sand.u32 $0x1, s1  }
0x8c: {  	s17 =	sshll.u32 s0, $0xA;
	s2 =	sadd.s32 s3, s2  }
0x8d: {  	s2 =	sadd.s32 s2, s17  }
0x8e: {  	[smem:$0x3FC6] =	sst s2  }
0x8f: {  	_ = 	snop  }
0x90: {  	s2 =	sld [smem:$0x3FC8]  }
0x91: {  	s18 =	sld [smem:$0x3FD0];
	(tm) =	ssettm $0x1  }
0x92: {  	s4 =	sld [smem:$0x3FFB];
	_ =	sdelay $0x3  }
0x93: {  	_ =	strace s4  }
0x94: {  	s4 =	sld [smem:$0x3FFC];
	_ =	sdelay $0x3  }
0x95: {  	_ =	strace s4  }
0x96: {  	s4 =	sld [smem:$0x3FFD];
	_ =	sdelay $0x3  }
0x97: {  	_ =	strace s4  }
0x98: {  	_ =	strace $0x8FFFFFFF  }
0x99: {  	s19 =	sld [smem:$0x3FDB];
	_ =	sdelay $0x1  }
0x9a: {  	s5 =	simm.s32 $_scs_section_size  }
0x9b: {  	s6 =	simm.s32 $_size__tile_overlayer_lowered;
	s7 =	simm.s32 $_tile_overlayer_lowered  }
0x9c: {  	s22 =	simm.s32 $0x1BFF;
	s21 =	sshll.u32 s7, $0x1;
	s4 =	sadd.s32 s5, s19  }
0x9d: {  	s8 =	simm.s32 $0x0;
	s20 =	sshll.u32 s6, $0x1;
	s6 =	sadd.s32 s21, s4  }
0x9e: {  	[timem:s8], [sflag:s22] =	dma.local [hbm:s6], s20  }
0x9f: {  	_ =	swait.ge [sflag:s22], s20  }
0xa0: {  	s5 =	ssub.s32 $0x0, s20;
	[sflag:s22] =	ssyncset.done $0x0  }
0xa1: {  	[sflag:s22] =	ssyncadd.s32 s5;
	_ =	sdelay $0x1  }
0xa2: {  	s23 =	simm.s32 $0x1B8B  }
0xa3: {  	_ =	swait.ge [sflag:s23], $0x1  }
0xa4: {  	[sflag:s23] =	ssyncset.done $0x0  }
0xa5: {  	s25 =	simm.s32 $0x1B8E;
	s24 =	sld [smem:$0x3FFE];
	[sflag:s23] =	ssyncadd.s32 $0xFFFFFFFF  }
0xa6: {  	s26 =	simm.s32 $execute0_lowered;
	[smem:$0x3FD2] =	sst s25  }
0xa7: {  	s6 =	sshll.u32 s26, $0x1;
	_ =	strace $0x80000046;
	[dreg:$0x1] =	wrdreg $0xFFFFFFFF  }
0xa8: {  	s28 =	simm.s32 $_size_execute0_lowered;
	s4 =	sadd.s32 s4, s6;
	[dreg:$0x0] =	wrdreg $0x0  }
0xa9: {  	s6 =	sshll.u32 s28, $0x1;
	[dreg:$0x2] =	wrdreg s4  }
0xaa: {  	[dreg:$0x3] =	wrdreg s6  }
0xab: {  	[dreg:$0x4] =	wrdreg $0xC0  }
0xac: {  	_ =	task [dreg:s8], $0x5FFFF  }
0xad: {  	[dreg:$0x1] =	wrdreg $0xFFFFFFFF  }
0xae: {  	[dreg:$0x0] =	wrdreg $0x60  }
0xaf: {  	[dreg:$0x2] =	wrdreg s18  }
0xb0: {  	[dreg:$0x3] =	wrdreg s2  }
0xb1: {  	[dreg:$0x4] =	wrdreg s24  }
0xb2: {  	[dreg:$0x5] =	wrdreg $0x80000  }
0xb3: {  	[dreg:$0x6] =	wrdreg $0x9  }
0xb4: {  	_ =	task.clear_ibuf [dreg:s8], $0x7FFFF;
	_ =	strace $0x90000046  }
0xb5: {  	s29 =	simm.s32 $0x9;
	_ =	strace $0x80000048  }
0xb6: {  	_ =	swait.ge [sflag:s29], $0x1  }
0xb7: {  	[sflag:s29] =	ssyncadd.s32 $0xFFFFFFFF  }
0xb8: {  	_ =	strace $0x90000048  }
0xb9: {  	_ =	sfence  }
0xba: {  	s30 =	sld [smem:$0x0];
	_ =	sdelay $0x2  }
0xbb: {  	s31 =	sshll.u32 s1, $0xD;
	s1 =	sshrl.u32 s1, $0x2  }
0xbc: {  	s3 =	sand.u32 $0x4000, s31;
	s1 =	sadd.s32 s1, s30  }
0xbd: {  	s0 =	sor.u32 s3, s0;
	s1 =	sshll.u32 s1, $0x11  }
0xbe: {  	s0 =	sor.u32 s1, s0  }
0xbf: {  	s0 =	sadd.s32 $0x8F2B, s0  }
0xc0: {  	[sflag:s0] =	ssyncadd.remote.s32 $0x1  }
0xc1: {  	_ =	sfence.sel $0xFFFF  }
0xc2: {  	[dreg:$0x0] =	wrdreg $0xFFFFFFFF;
	(pc) =	sbr.abs _section_cstart, $3  }
0xc3: {  	[dreg:$0x1] =	wrdreg $0xFFFFFFFF  }
0xc4: {  	_ =	task.clear_ibuf [dreg:s8], $0x2FFFF;
	_ =	strace $0x9FFFFFFF  }
0xc5: {  	(tm) =	ssettm $0x7FFFFFFF  }
tec
execute0_lowered:
.L_overlay_start_1:
0x0: {  	(tag) =	ssettag $0x1  }
0x1: {  	s4 =	rddreg [dreg:$0x0]  }
0x2: {  	s6 =	rddreg [dreg:$0x1]  }
0x3: {  	s16 =	rddreg [dreg:$0x2]  }
0x4: {  	s2 =	rddreg [dreg:$0x3]  }
0x5: {  	s0 =	rddreg [dreg:$0x4]  }
0x6: {  	s3 =	simm.s32 $0x0;
	s5 =	srdreg.scid;
	s1 =	stileid.u32  }
0x7: {  	[smem:$0x7FF] =	sst s3;
	s22 =	sand.u32 $0x1, s5;
	s29 =	smul.u32 $0xC000, s1  }
0x8: {  	s7 =	sshll.u32 s1, $0xB;
	s31 =	sshll.u32 s1, $0x6;
	s8 =	sshll.u32 s22, $0xA  }
0x9: {  	_ =	strace $0x80000047;
	s5 =	sor.u32 $0x1C05, s31;
	s17 =	sor.u32 s8, s7  }
0xa: {  	s30 =	sshrl.u32 s29, $0x3;
	s9 =	sadd.s32 s29, s2;
	s8 =	simm.s32 $0x6  }
0xb: {  	s4 =	sadd.s32 s4, s30;
	s6 =	sadd.s32 s6, s17;
	s7 =	sshrl.u32 s9, $0x3  }
0xc: {  	[spmem:s7], [sflag:s5] =	dma.local [hbm:s4], $0x1800  }
0xd: {  	[tilespmem:s3], [sflag:$0x6] =	stream.linear.gather [hbm4b:s6+s3], $0x2000, $0x38;
	[tilespmem:$0x14000] =	vst v63  }
0xe: {  	_ =	swait.ge [sflag:s8], $0x2000  }
0xf: {  	[sflag:s8] =	ssyncset.done $0x0  }
0x10: {  	s9 =	simm.s32 $0x5;
	[sflag:s8] =	ssyncadd.s32 $0xFFFFE000  }
0x11: {  	_ =	swait.ge [sflag:s9], $0x1800  }
0x12: {  	[sflag:s9] =	ssyncset.done $0x0  }
0x13: {  	[sflag:s9] =	ssyncadd.s32 $0xFFFFE800  }
0x14: {  	s10 =	simm.s32 $0x2000;
	[bflag:$0x0] =	sbarrier.arrive $0xFFFF  }
0x15: {  	[tilespmem:s10], [sflag:$0x1] =	stream.indirect.gather [spmem:s2], $0x1, s3, s10, $0xb8;
	[tilespmem:$0x14000] =	vst v63  }
0x16: {  	s12 =	simm.s32 $0x4000;
	s11 =	sadd.s32 $0x40000, s2  }
0x17: {  	[tilespmem:s12], [sflag:$0x2] =	stream.indirect.gather [spmem:s11], $0x1, s3, s10, $0xb8;
	[tilespmem:$0x14000] =	vst v63  }
0x18: {  	s14 =	simm.s32 $0x6000;
	s15 =	simm.s32 $0x1;
	s13 =	sadd.s32 $0x80000, s2  }
0x19: {  	[tilespmem:s14], [sflag:$0x3] =	stream.indirect.gather [spmem:s13], $0x1, s3, s10, $0xb8;
	[tilespmem:$0x14000] =	vst v63  }
0x1a: {  	_ =	swait.ge [sflag:s15], $0x2000  }
0x1b: {  	s20 =	sadd.s32 s17, s16;
	[sflag:s15] =	ssyncset.done $0x0  }
0x1c: {  	s17 =	simm.s32 $0x2;
	s16 =	sadd.s32 $0x400, s20;
	[sflag:s15] =	ssyncadd.s32 $0xFFFFE000  }
0x1d: {  	[hbm4b:s16+s3] =	stream.linear.scatter [tilespmem:s10], [sflag:$0x4], $0x2000, $0x38;
	[tilespmem:$0x14000] =	vst v63  }
0x1e: {  	_ =	swait.ge [sflag:s17], $0x2000  }
0x1f: {  	[sflag:s17] =	ssyncset.done $0x0  }
0x20: {  	s19 =	simm.s32 $0x3;
	s18 =	sadd.s32 $0x8400, s20;
	[sflag:s17] =	ssyncadd.s32 $0xFFFFE000  }
0x21: {  	[hbm4b:s18+s3] =	stream.linear.scatter [tilespmem:s12], [sflag:$0x4], $0x2000, $0x38;
	[tilespmem:$0x14000] =	vst v63  }
0x22: {  	s22 =	ssub.s32 $0x2, s22;
	_ =	swait.ge [sflag:s19], $0x2000  }
0x23: {  	s23 =	sshrl.u32 s22, $0x1;
	[sflag:s19] =	ssyncset.done $0x0  }
0x24: {  	s21 =	sadd.s32 $0x10400, s20;
	s20 =	simm.s32 $0x4;
	[sflag:s19] =	ssyncadd.s32 $0xFFFFE000  }
0x25: {  	[hbm4b:s21+s3] =	stream.linear.scatter [tilespmem:s14], [sflag:$0x4], $0x2000, $0x38;
	[tilespmem:$0x14000] =	vst v63  }
0x26: {  	s22 =	ssub.s32 s22, s23;
	_ =	swait.ge [sflag:s20], $0x2000  }
0x27: {  	s22 =	smax.u32 s22, $0x1;
	[sflag:s20] =	ssyncset.done $0x0  }
0x28: {  	p0 =	sne.s32 s22, $0x1;
	[sflag:s20] =	ssyncadd.s32 $0xFFFFE000  }
.Ltmp0:
0x29: {  	_ =	swait.ge [sflag:s20], $0x2000;
	(pc) =	sbr.rel @!p0 .LBB2_2-.Ltmp0, $4  }
0x2a: {  	[sflag:s20] =	ssyncset.done $0x0  }
0x2b: {  	[sflag:s20] =	ssyncadd.s32 $0xFFFFE000  }
0x2c: {  	_ =	swait.ge [sflag:s20], $0x2000  }
0x2d: {  	s22 =	sadd.s32 $0xFFFFFFFF, s22;
	[sflag:s20] =	ssyncset.done $0x0  }
.LBB2_1:
0x2e: {  	p0 =	sne.s32 s22, $0x1;
	s22 =	sadd.s32 $0xFFFFFFFF, s22;
	[sflag:s20] =	ssyncadd.s32 $0xFFFFE000  }
0x2f: {  	[spmem:s7], [sflag:s5] =	dma.local [hbm:s4], $0x1800  }
0x30: {  	[tilespmem:s3], [sflag:$0x6] =	stream.linear.gather [hbm4b:s6+s3], $0x2000, $0x38;
	[tilespmem:$0x14000] =	vst v63  }
0x31: {  	_ =	swait.ge [sflag:s8], $0x2000  }
0x32: {  	[sflag:s8] =	ssyncset.done $0x0  }
0x33: {  	[sflag:s8] =	ssyncadd.s32 $0xFFFFE000  }
0x34: {  	_ =	swait.ge [sflag:s9], $0x1800  }
0x35: {  	[sflag:s9] =	ssyncset.done $0x0  }
0x36: {  	[sflag:s9] =	ssyncadd.s32 $0xFFFFE800  }
0x37: {  	[bflag:$0x0] =	sbarrier.arrive $0xFFFF  }
0x38: {  	[tilespmem:s10], [sflag:$0x1] =	stream.indirect.gather [spmem:s2], $0x1, s3, s10, $0xb8;
	[tilespmem:$0x14000] =	vst v63  }
0x39: {  	_ = 	snop  }
0x3a: {  	[tilespmem:s12], [sflag:$0x2] =	stream.indirect.gather [spmem:s11], $0x1, s3, s10, $0xb8;
	[tilespmem:$0x14000] =	vst v63  }
0x3b: {  	_ = 	snop  }
0x3c: {  	[tilespmem:s14], [sflag:$0x3] =	stream.indirect.gather [spmem:s13], $0x1, s3, s10, $0xb8;
	[tilespmem:$0x14000] =	vst v63  }
0x3d: {  	_ =	swait.ge [sflag:s15], $0x2000  }
0x3e: {  	[sflag:s15] =	ssyncset.done $0x0  }
0x3f: {  	[sflag:s15] =	ssyncadd.s32 $0xFFFFE000  }
0x40: {  	[hbm4b:s16+s3] =	stream.linear.scatter [tilespmem:s10], [sflag:$0x4], $0x2000, $0x38;
	[tilespmem:$0x14000] =	vst v63  }
0x41: {  	_ =	swait.ge [sflag:s17], $0x2000  }
0x42: {  	[sflag:s17] =	ssyncset.done $0x0  }
0x43: {  	[sflag:s17] =	ssyncadd.s32 $0xFFFFE000  }
0x44: {  	[hbm4b:s18+s3] =	stream.linear.scatter [tilespmem:s12], [sflag:$0x4], $0x2000, $0x38;
	[tilespmem:$0x14000] =	vst v63  }
0x45: {  	_ =	swait.ge [sflag:s19], $0x2000  }
0x46: {  	[sflag:s19] =	ssyncset.done $0x0  }
0x47: {  	[sflag:s19] =	ssyncadd.s32 $0xFFFFE000  }
0x48: {  	[hbm4b:s21+s3] =	stream.linear.scatter [tilespmem:s14], [sflag:$0x4], $0x2000, $0x38;
	[tilespmem:$0x14000] =	vst v63  }
0x49: {  	_ =	swait.ge [sflag:s20], $0x2000  }
0x4a: {  	[sflag:s20] =	ssyncset.done $0x0  }
0x4b: {  	[sflag:s20] =	ssyncadd.s32 $0xFFFFE000  }
.Ltmp1:
0x4c: {  	_ =	swait.ge [sflag:s20], $0x2000;
	(pc) =	sbr.rel @p0 .LBB2_1-.Ltmp1, $4  }
0x4d: {  	[sflag:s20] =	ssyncset.done $0x0  }
0x4e: {  	[sflag:s20] =	ssyncadd.s32 $0xFFFFE000  }
0x4f: {  	_ =	swait.ge [sflag:s20], $0x2000  }
0x50: {  	[sflag:s20] =	ssyncset.done $0x0  }
.LBB2_2:
0x51: {  	[sflag:s20] =	ssyncadd.s32 $0xFFFFE000  }
0x52: {  	_ =	sfence.sel $0x180000  }
0x53: {  	[bflag:$0x0] =	sbarrier.arrive $0xFFFF  }
0x54: {  	p0 =	sne.s32 s1, $0x0;
	_ =	strace $0x90000047  }
0x55: {  	s0 =	sadd.s32 @!p0 $0x100000, s0;
	[bflag:$0x2] =	sbarrier.arrive $0xFFFF  }
0x56: {  	[sflag:s0] =	ssyncadd.tile.s32 @!p0 $0x1;
	_ =	shalt  }
.Lfunc_end2:
_tile_overlayer_lowered:
.L_overlay_start_2:
0x57: {  	(tag) =	ssettag $0x2  }
0x58: {  	s0 =	rddreg [dreg:$0x0];
	s2 =	stileid.u32  }
0x59: {  	s1 =	rddreg [dreg:$0x1];
	p0 =	sne.s32 s2, $0x0  }
0x5a: {  	s3 =	rddreg [dreg:$0x2];
	[bflag:$0x3] =	sbarrier.arrive $0xFFFF;
	s2 =	simm.s32 @!p0 $0x1C06  }
0x5b: {  	[timem:s3], [sflag:s2] =	dma.local @!p0 [hbm:s0], s1  }
0x5c: {  	s0 =	simm.s32 @!p0 $0x6  }
0x5d: {  	_ =	swait.ge @!p0 [sflag:s0], s1  }
0x5e: {  	s1 =	ssub.s32 @!p0 $0x0, s1;
	[sflag:s0] =	ssyncset.done @!p0 $0x0  }
0x5f: {  	[sflag:s0] =	ssyncadd.s32 @!p0 s1  }
0x60: {  	[bflag:$0x3] =	sbarrier.arrive $0xFFFF  }
0x61: {  	_ =	shalt  }

</sc_bundles>
